<compile_context>
chip_gen: v7x
topology: tpu7x:2x2x1
jax: 0.10.2.dev20260603
libtpu: 0.0.44.dev20260713+nightly
codegen_flags: <defaults>
</compile_context>

<pallas_src>
import functools

import jax
import jax.numpy as jnp
from jax import lax
from jax.experimental import pallas as pl
from jax.experimental.pallas import tpu as pltpu
from jax.experimental.pallas import tpu_sc as plsc

_NBUF = 4


def _dense_body(ng, rows, logits_hbm, labels_ref, bounds_ref,
                conf_ref, corr_ref, bin_ref, *rest):
    bufs = rest[:_NBUF]
    sems = rest[_NBUF:2 * _NBUF]
    g = pl.program_id(0)
    r = rows

    def _copy(blk, slot):
        return pltpu.make_async_copy(
            logits_hbm.at[pl.ds(blk * r, r), :], bufs[slot], sems[slot])

    @pl.when(g == 0)
    def _init():
        for b in range(_NBUF):
            _copy(b, b).start()

    for b in range(_NBUF):
        blk = g * _NBUF + b
        _copy(blk, b).wait()

        x = bufs[b][...]
        c = x.shape[-1]
        m = jnp.max(x, axis=1)
        e = jnp.exp(x - m[:, None])
        ones = jnp.ones((c, 128), dtype=jnp.float32)
        s = lax.dot_general(e, ones, (((1,), (0,)), ((), ())),
                            preferred_element_type=jnp.float32)[:, 0]
        conf = 1.0 / s
        conf = jnp.where(conf == 1.0, jnp.float32(0.999999), conf)

        col = lax.broadcasted_iota(jnp.int32, (r, c), 1)
        lab = labels_ref[pl.ds(b * r, r)]
        picked = jnp.max(jnp.where(col == lab[:, None], x,
                                   jnp.float32(-3e38)), axis=1)
        correct = (picked == m).astype(jnp.float32)

        @pl.when(blk + _NBUF < ng * _NBUF)
        def _refill():
            _copy(blk + _NBUF, b).start()

        bounds = bounds_ref[...]
        gt = (conf[:, None] > bounds[None, :]).astype(jnp.int32)
        binidx = jnp.sum(gt, axis=1) - 1

        conf_ref[pl.ds(b * r, r)] = conf
        corr_ref[pl.ds(b * r, r)] = correct
        bin_ref[pl.ds(b * r, r)] = binidx


def _sc_hist_body(per_w, nc, conf_hbm, corr_hbm, bin_hbm, out_hbm,
                  conf_v, corr_v, bin_v, acc_v):
    wid = lax.axis_index("s") * nc + lax.axis_index("c")
    base = wid * per_w
    pltpu.sync_copy(conf_hbm.at[pl.ds(base, per_w)], conf_v)
    pltpu.sync_copy(corr_hbm.at[pl.ds(base, per_w)], corr_v)
    pltpu.sync_copy(bin_hbm.at[pl.ds(base, per_w)], bin_v)

    for j in range(3):
        acc_v[pl.ds(j * 16, 16)] = jnp.zeros((16,), jnp.float32)

    ones16 = jnp.ones((16,), jnp.float32)

    def step(k, carry):
        bv = bin_v[pl.ds(k * 16, 16)]
        plsc.addupdate_scatter(acc_v, [bv], ones16)
        plsc.addupdate_scatter(acc_v, [bv + 16], conf_v[pl.ds(k * 16, 16)])
        plsc.addupdate_scatter(acc_v, [bv + 32], corr_v[pl.ds(k * 16, 16)])
        return carry

    lax.fori_loop(0, per_w // 16, step, 0)
    pltpu.sync_copy(acc_v, out_hbm.at[wid])


def _combine_body(n_rows, stats_ref, out_ref):
    x = stats_ref[...]
    sums = jnp.sum(x, axis=0)
    cnt = sums[0:16]
    csum = sums[16:32]
    asum = sums[32:48]
    prop = cnt / jnp.float32(n_rows)
    valid = cnt > 20.0
    safe = jnp.maximum(cnt, 1.0)
    acc_bin = jnp.clip(asum / safe, 0.01, 0.99)
    avg_conf = csum / safe
    ece = jnp.sum(jnp.where(valid, jnp.abs(avg_conf - acc_bin) * prop, 0.0))
    out_ref[...] = jnp.reshape(ece, (1,))


def kernel(logits, labels, num_classes):
    n, c = logits.shape
    rows = 1024
    ng = n // (rows * _NBUF)
    bounds = jnp.linspace(0.0, 1.0, 16).astype(jnp.float32)
    labels = labels.astype(jnp.int32)

    scratch = [pltpu.VMEM((rows, c), jnp.float32) for _ in range(_NBUF)]
    scratch += [pltpu.SemaphoreType.DMA for _ in range(_NBUF)]

    blk = rows * _NBUF
    conf, corr, binidx = pl.pallas_call(
        functools.partial(_dense_body, ng, rows),
        grid=(ng,),
        in_specs=[
            pl.BlockSpec(memory_space=pl.ANY),
            pl.BlockSpec((blk,), lambda i: (i,)),
            pl.BlockSpec((16,), lambda i: (0,)),
        ],
        out_specs=[
            pl.BlockSpec((blk,), lambda i: (i,)),
            pl.BlockSpec((blk,), lambda i: (i,)),
            pl.BlockSpec((blk,), lambda i: (i,)),
        ],
        out_shape=[
            jax.ShapeDtypeStruct((n,), jnp.float32),
            jax.ShapeDtypeStruct((n,), jnp.float32),
            jax.ShapeDtypeStruct((n,), jnp.int32),
        ],
        scratch_shapes=scratch,
    )(logits, labels, bounds)

    info = plsc.get_sparse_core_info()
    nc_, ns_ = info.num_cores, info.num_subcores
    nw = nc_ * ns_
    per_w = n // nw
    mesh = plsc.VectorSubcoreMesh(core_axis_name="c", subcore_axis_name="s")
    stats = pl.kernel(
        functools.partial(_sc_hist_body, per_w, nc_),
        out_type=jax.ShapeDtypeStruct((nw, 48), jnp.float32),
        mesh=mesh,
        compiler_params=pltpu.CompilerParams(needs_layout_passes=False, skip_device_barrier=True),
        scratch_types=[
            pltpu.VMEM((per_w,), jnp.float32),
            pltpu.VMEM((per_w,), jnp.float32),
            pltpu.VMEM((per_w,), jnp.int32),
            pltpu.VMEM((48,), jnp.float32),
        ],
    )(conf, corr, binidx)

    out = pl.pallas_call(
        functools.partial(_combine_body, n),
        out_shape=jax.ShapeDtypeStruct((1,), jnp.float32),
    )(stats)
    return out

# --- scband reference (transcript-rebuilt; emitter-appended) ---
"""Pipeline reference for scband-calibration-loss-34170759807416 (READ-ONLY COPY).

The authoritative reference and input builder live on the scoring server;
editing this copy changes nothing except your own understanding.
"""

import jax, jax.numpy as jnp
import numpy as np


def setup_inputs(seed: int = 0) -> dict:
    key = jax.random.key(seed)
    k1, k2 = jax.random.split(key)
    logits = jax.random.normal(k1, (65536, 1000), dtype=jnp.float32)
    labels = jax.random.randint(k2, (65536,), 0, 1000, dtype=jnp.int64 if jax.config.jax_enable_x64 else jnp.int32)
    return {"logits": logits, "labels": labels, "num_classes": 1000}


def reference(logits, labels, num_classes=1000):
    # CalibrationLoss(n_bins=15, LOGIT=True, adaECE=False, true_labels=None).forward
    n_bins = 15
    softmaxes = jax.nn.softmax(logits, axis=1)
    confidences = jnp.max(softmaxes, axis=1)
    predictions = jnp.argmax(softmaxes, axis=1)
    correctness = (predictions == labels).astype(jnp.float32)
    # confidences[confidences == 1] = 0.999999
    confidences = jnp.where(confidences == 1.0, jnp.float32(0.999999), confidences)
    bin_boundaries = jnp.linspace(0.0, 1.0, n_bins + 1)
    N = confidences.shape[0]
    ece = jnp.zeros((1,), dtype=logits.dtype)
    for i in range(n_bins):
        bin_lower = bin_boundaries[i]
        bin_upper = bin_boundaries[i + 1]
        in_bin = (confidences > bin_lower) & (confidences <= bin_upper)
        mask = in_bin.astype(jnp.float32)
        count = jnp.sum(mask)
        prop_in_bin = count / N
        # torch: prop_in_bin > 0 and in_bin.sum() > 20  (adaECE=False)
        valid = count > 20
        safe_count = jnp.maximum(count, 1.0)
        # accuracy_in_bin = correctness[in_bin].float().mean(), then clamp to [0.01, 0.99]
        accuracy_in_bin = jnp.clip(jnp.sum(correctness * mask) / safe_count, 0.01, 0.99)
        avg_confidence_in_bin = jnp.sum(confidences * mask) / safe_count
        cur_ece = jnp.abs(avg_confidence_in_bin - accuracy_in_bin) * prop_in_bin
        ece = ece + jnp.where(valid, cur_ece, jnp.float32(0.0))
    return ece

if __name__ == "__main__":
    import jax
    _d = setup_inputs()
    print(jax.jit(kernel)(*tuple(_d.values())))

</pallas_src>

<mosaic_0001>
#map = affine_map<(d0, d1) -> (0)>
#map1 = affine_map<(d0, d1) -> (0, 0)>
module attributes {stable_mosaic.version = 14 : i64} {
  func.func @_sc_hist_body(%arg0: i32, %arg1: i32, %arg2: memref<65536xf32, #tpu.memory_space<hbm>>, %arg3: memref<65536xf32, #tpu.memory_space<hbm>>, %arg4: memref<65536xi32, #tpu.memory_space<hbm>>, %arg5: memref<32x48xf32, #tpu.memory_space<hbm>>, %arg6: memref<2048xf32, #tpu.memory_space<vmem>>, %arg7: memref<2048xf32, #tpu.memory_space<vmem>>, %arg8: memref<2048xi32, #tpu.memory_space<vmem>>, %arg9: memref<48xf32, #tpu.memory_space<vmem>>) attributes {dimension_semantics = [#tpu.dimension_semantics<core_parallel>, #tpu.dimension_semantics<subcore_parallel>], iteration_bounds = array<i64: 2, 16>, scalar_prefetch = 0 : i64, scratch_operands = 4 : i64, tpu.core_type = #tpu.core_type<sc_vector_subcore>, window_params = [{transform_indices = #map}, {transform_indices = #map}, {transform_indices = #map}, {transform_indices = #map1}]} {
    %mul3A = arith.constant 2 : i32
    %mul3A_0 = arith.muli %arg1, %mul3A : i32
    %add3A = arith.addi %mul3A_0, %arg0 : i32
    %mul3A_1 = arith.constant 2048 : i32
    %mul3A_2 = arith.muli %add3A, %mul3A_1 : i32
    "tpu.region"() ({
      %run_scoped3A = tpu.sem_alloc : memref<!tpu.dma_semaphore, #tpu.memory_space<semaphore_mem>>
      %dma_start3A = tpu.memref_slice %arg2[%mul3A_2] : memref<65536xf32, #tpu.memory_space<hbm>> -> memref<2048xf32, #tpu.memory_space<hbm>>
      %dma_start3A_20 = tpu.memref_slice %arg2[%mul3A_2] : memref<65536xf32, #tpu.memory_space<hbm>> -> memref<2048xf32, #tpu.memory_space<hbm>>
      tpu.enqueue_dma source(%dma_start3A_20 : memref<2048xf32, #tpu.memory_space<hbm>>) target(%arg6 : memref<2048xf32, #tpu.memory_space<vmem>>) target_semaphore(%run_scoped3A : memref<!tpu.dma_semaphore, #tpu.memory_space<semaphore_mem>>)
      %dma_wait3A = tpu.memref_slice %arg2[%mul3A_2] : memref<65536xf32, #tpu.memory_space<hbm>> -> memref<2048xf32, #tpu.memory_space<hbm>>
      %dma_wait3A_21 = tpu.memref_slice %arg2[%mul3A_2] : memref<65536xf32, #tpu.memory_space<hbm>> -> memref<2048xf32, #tpu.memory_space<hbm>>
      tpu.wait_dma2 semaphore(%run_scoped3A : memref<!tpu.dma_semaphore, #tpu.memory_space<semaphore_mem>>) src(%dma_wait3A_21 : memref<2048xf32, #tpu.memory_space<hbm>>) dst(%arg6 : memref<2048xf32, #tpu.memory_space<vmem>>)
      tpu.yield
    }) : () -> ()
    "tpu.region"() ({
      %run_scoped3A = tpu.sem_alloc : memref<!tpu.dma_semaphore, #tpu.memory_space<semaphore_mem>>
      %dma_start3A = tpu.memref_slice %arg3[%mul3A_2] : memref<65536xf32, #tpu.memory_space<hbm>> -> memref<2048xf32, #tpu.memory_space<hbm>>
      %dma_start3A_20 = tpu.memref_slice %arg3[%mul3A_2] : memref<65536xf32, #tpu.memory_space<hbm>> -> memref<2048xf32, #tpu.memory_space<hbm>>
      tpu.enqueue_dma source(%dma_start3A_20 : memref<2048xf32, #tpu.memory_space<hbm>>) target(%arg7 : memref<2048xf32, #tpu.memory_space<vmem>>) target_semaphore(%run_scoped3A : memref<!tpu.dma_semaphore, #tpu.memory_space<semaphore_mem>>)
      %dma_wait3A = tpu.memref_slice %arg3[%mul3A_2] : memref<65536xf32, #tpu.memory_space<hbm>> -> memref<2048xf32, #tpu.memory_space<hbm>>
      %dma_wait3A_21 = tpu.memref_slice %arg3[%mul3A_2] : memref<65536xf32, #tpu.memory_space<hbm>> -> memref<2048xf32, #tpu.memory_space<hbm>>
      tpu.wait_dma2 semaphore(%run_scoped3A : memref<!tpu.dma_semaphore, #tpu.memory_space<semaphore_mem>>) src(%dma_wait3A_21 : memref<2048xf32, #tpu.memory_space<hbm>>) dst(%arg7 : memref<2048xf32, #tpu.memory_space<vmem>>)
      tpu.yield
    }) : () -> ()
    "tpu.region"() ({
      %run_scoped3A = tpu.sem_alloc : memref<!tpu.dma_semaphore, #tpu.memory_space<semaphore_mem>>
      %dma_start3A = tpu.memref_slice %arg4[%mul3A_2] : memref<65536xi32, #tpu.memory_space<hbm>> -> memref<2048xi32, #tpu.memory_space<hbm>>
      %dma_start3A_20 = tpu.memref_slice %arg4[%mul3A_2] : memref<65536xi32, #tpu.memory_space<hbm>> -> memref<2048xi32, #tpu.memory_space<hbm>>
      tpu.enqueue_dma source(%dma_start3A_20 : memref<2048xi32, #tpu.memory_space<hbm>>) target(%arg8 : memref<2048xi32, #tpu.memory_space<vmem>>) target_semaphore(%run_scoped3A : memref<!tpu.dma_semaphore, #tpu.memory_space<semaphore_mem>>)
      %dma_wait3A = tpu.memref_slice %arg4[%mul3A_2] : memref<65536xi32, #tpu.memory_space<hbm>> -> memref<2048xi32, #tpu.memory_space<hbm>>
      %dma_wait3A_21 = tpu.memref_slice %arg4[%mul3A_2] : memref<65536xi32, #tpu.memory_space<hbm>> -> memref<2048xi32, #tpu.memory_space<hbm>>
      tpu.wait_dma2 semaphore(%run_scoped3A : memref<!tpu.dma_semaphore, #tpu.memory_space<semaphore_mem>>) src(%dma_wait3A_21 : memref<2048xi32, #tpu.memory_space<hbm>>) dst(%arg8 : memref<2048xi32, #tpu.memory_space<vmem>>)
      tpu.yield
    }) : () -> ()
    %broadcast_in_dim3A = arith.constant 0.000000e+00 : f32
    %broadcast_in_dim3A_3 = vector.broadcast %broadcast_in_dim3A : f32 to vector<16xf32>
    %swap3A = arith.constant 0 : index
    %swap3A_4 = tpu.vector_load %arg9[%swap3A] {strides = array<i32>} : memref<48xf32, #tpu.memory_space<vmem>>, vector<16xf32>,
    tpu.vector_store %arg9[%swap3A], %broadcast_in_dim3A_3 {strides = array<i32>} : memref<48xf32, #tpu.memory_space<vmem>>, vector<16xf32>,
    %broadcast_in_dim3A_5 = arith.constant 0.000000e+00 : f32
    %broadcast_in_dim3A_6 = vector.broadcast %broadcast_in_dim3A_5 : f32 to vector<16xf32>
    %swap3A_7 = arith.constant 16 : index
    %swap3A_8 = tpu.vector_load %arg9[%swap3A_7] {strides = array<i32>} : memref<48xf32, #tpu.memory_space<vmem>>, vector<16xf32>,
    tpu.vector_store %arg9[%swap3A_7], %broadcast_in_dim3A_6 {strides = array<i32>} : memref<48xf32, #tpu.memory_space<vmem>>, vector<16xf32>,
    %broadcast_in_dim3A_9 = arith.constant 0.000000e+00 : f32
    %broadcast_in_dim3A_10 = vector.broadcast %broadcast_in_dim3A_9 : f32 to vector<16xf32>
    %swap3A_11 = arith.constant 32 : index
    %swap3A_12 = tpu.vector_load %arg9[%swap3A_11] {strides = array<i32>} : memref<48xf32, #tpu.memory_space<vmem>>, vector<16xf32>,
    tpu.vector_store %arg9[%swap3A_11], %broadcast_in_dim3A_10 {strides = array<i32>} : memref<48xf32, #tpu.memory_space<vmem>>, vector<16xf32>,
    %broadcast_in_dim3A_13 = arith.constant 1.000000e+00 : f32
    %broadcast_in_dim3A_14 = vector.broadcast %broadcast_in_dim3A_13 : f32 to vector<16xf32>
    %scan3A = arith.constant 0 : i32
    %scan3A_15 = arith.constant 0 : i32
    %scan3A_16 = arith.constant 128 : i32
    %scan3A_17 = arith.addi %scan3A_15, %scan3A_16 : i32
    %scan3A_18 = arith.constant 1 : i32
    scf.for %scan3A_20 = %scan3A_15 to %scan3A_17 step %scan3A_18  : i32 {
      %mul3A_21 = arith.constant 16 : i32
      %mul3A_22 = arith.muli %scan3A_20, %mul3A_21 : i32
      %get3A = arith.index_cast %mul3A_22 : i32 to index
      %get3A_23 = tpu.vector_load %arg8[%get3A] {strides = array<i32>} : memref<2048xi32, #tpu.memory_space<vmem>>, vector<16xi32>,
      tpu.vector_store_idx %arg9[%get3A_23], %broadcast_in_dim3A_14 {add = true} : memref<48xf32, #tpu.memory_space<vmem>>[vector<16xi32>], vector<16xf32>,
      %add3A_24 = arith.constant 16 : i32
      %add3A_25 = vector.broadcast %add3A_24 : i32 to vector<16xi32>
      %add3A_26 = arith.addi %get3A_23, %add3A_25 : vector<16xi32>
      %mul3A_27 = arith.constant 16 : i32
      %mul3A_28 = arith.muli %scan3A_20, %mul3A_27 : i32
      %get3A_29 = arith.index_cast %mul3A_28 : i32 to index
      %get3A_30 = tpu.vector_load %arg6[%get3A_29] {strides = array<i32>} : memref<2048xf32, #tpu.memory_space<vmem>>, vector<16xf32>,
      tpu.vector_store_idx %arg9[%add3A_26], %get3A_30 {add = true} : memref<48xf32, #tpu.memory_space<vmem>>[vector<16xi32>], vector<16xf32>,
      %add3A_31 = arith.constant 32 : i32
      %add3A_32 = vector.broadcast %add3A_31 : i32 to vector<16xi32>
      %add3A_33 = arith.addi %get3A_23, %add3A_32 : vector<16xi32>
      %mul3A_34 = arith.constant 16 : i32
      %mul3A_35 = arith.muli %scan3A_20, %mul3A_34 : i32
      %get3A_36 = arith.index_cast %mul3A_35 : i32 to index
      %get3A_37 = tpu.vector_load %arg7[%get3A_36] {strides = array<i32>} : memref<2048xf32, #tpu.memory_space<vmem>>, vector<16xf32>,
      tpu.vector_store_idx %arg9[%add3A_33], %get3A_37 {add = true} : memref<48xf32, #tpu.memory_space<vmem>>[vector<16xi32>], vector<16xf32>,
    }
    %scan3A_19 = arith.constant 128 : i32
    "tpu.region"() ({
      %run_scoped3A = tpu.sem_alloc : memref<!tpu.dma_semaphore, #tpu.memory_space<semaphore_mem>>
      %dma_start3A = arith.constant 0 : i32
      %dma_start3A_20 = tpu.memref_slice %arg5[%add3A, %dma_start3A] : memref<32x48xf32, #tpu.memory_space<hbm>> -> memref<1x48xf32, #tpu.memory_space<hbm>>
      %dma_start3A_21 = tpu.memref_squeeze %dma_start3A_20 : memref<1x48xf32, #tpu.memory_space<hbm>> -> memref<48xf32, #tpu.memory_space<hbm>>
      %dma_start3A_22 = arith.constant 0 : i32
      %dma_start3A_23 = tpu.memref_slice %arg5[%add3A, %dma_start3A_22] : memref<32x48xf32, #tpu.memory_space<hbm>> -> memref<1x48xf32, #tpu.memory_space<hbm>>
      %dma_start3A_24 = tpu.memref_squeeze %dma_start3A_23 : memref<1x48xf32, #tpu.memory_space<hbm>> -> memref<48xf32, #tpu.memory_space<hbm>>
      tpu.enqueue_dma source(%arg9 : memref<48xf32, #tpu.memory_space<vmem>>) target(%dma_start3A_24 : memref<48xf32, #tpu.memory_space<hbm>>) target_semaphore(%run_scoped3A : memref<!tpu.dma_semaphore, #tpu.memory_space<semaphore_mem>>)
      %dma_wait3A = arith.constant 0 : i32
      %dma_wait3A_25 = tpu.memref_slice %arg5[%add3A, %dma_wait3A] : memref<32x48xf32, #tpu.memory_space<hbm>> -> memref<1x48xf32, #tpu.memory_space<hbm>>
      %dma_wait3A_26 = tpu.memref_squeeze %dma_wait3A_25 : memref<1x48xf32, #tpu.memory_space<hbm>> -> memref<48xf32, #tpu.memory_space<hbm>>
      %dma_wait3A_27 = arith.constant 0 : i32
      %dma_wait3A_28 = tpu.memref_slice %arg5[%add3A, %dma_wait3A_27] : memref<32x48xf32, #tpu.memory_space<hbm>> -> memref<1x48xf32, #tpu.memory_space<hbm>>
      %dma_wait3A_29 = tpu.memref_squeeze %dma_wait3A_28 : memref<1x48xf32, #tpu.memory_space<hbm>> -> memref<48xf32, #tpu.memory_space<hbm>>
      tpu.wait_dma2 semaphore(%run_scoped3A : memref<!tpu.dma_semaphore, #tpu.memory_space<semaphore_mem>>) src(%arg9 : memref<48xf32, #tpu.memory_space<vmem>>) dst(%dma_wait3A_29 : memref<48xf32, #tpu.memory_space<hbm>>)
      tpu.yield
    }) : () -> ()
    return
  }
}

module attributes {stable_mosaic.version = 14 : i64} {
  func.func @_combine_body(%arg0: memref<32x48xf32, #tpu.memory_space<vmem>>, %arg1: memref<1xf32, #tpu.memory_space<vmem>>) attributes {dimension_semantics = [], scalar_prefetch = 0 : i64, scratch_operands = 0 : i64, tpu.core_type = #tpu.core_type<tc>} {
    %get3A = arith.constant 0 : index
    %get3A_0 = arith.constant 0 : index
    %get3A_1 = vector.load %arg0[%get3A, %get3A_0] : memref<32x48xf32, #tpu.memory_space<vmem>>, vector<32x48xf32>
    %reduce_sum3A = arith.constant dense<0.000000e+00> : vector<48xf32>
    %reduce_sum3A_2 = vector.multi_reduction <add>, %get3A_1, %reduce_sum3A [0] : vector<32x48xf32> to vector<48xf32>
    %slice3A = vector.extract_strided_slice %reduce_sum3A_2 {offsets = [0], sizes = [16], strides = [1]} : vector<48xf32> to vector<16xf32>
    %slice3A_3 = vector.extract_strided_slice %reduce_sum3A_2 {offsets = [16], sizes = [16], strides = [1]} : vector<48xf32> to vector<16xf32>
    %slice3A_4 = vector.extract_strided_slice %reduce_sum3A_2 {offsets = [32], sizes = [16], strides = [1]} : vector<48xf32> to vector<16xf32>
    %div3A = arith.constant 6.553600e+04 : f32
    %div3A_5 = vector.broadcast %div3A : f32 to vector<16xf32>
    %div3A_6 = arith.divf %slice3A, %div3A_5 : vector<16xf32>
    %gt3A = arith.constant 2.000000e+01 : f32
    %gt3A_7 = vector.broadcast %gt3A : f32 to vector<16xf32>
    %gt3A_8 = arith.cmpf ogt, %slice3A, %gt3A_7 : vector<16xf32>
    %max3A = arith.constant 1.000000e+00 : f32
    %max3A_9 = vector.broadcast %max3A : f32 to vector<16xf32>
    %max3A_10 = arith.maximumf %slice3A, %max3A_9 : vector<16xf32>
    %div3A_11 = arith.divf %slice3A_4, %max3A_10 : vector<16xf32>
    %jit3A = arith.constant 0.00999999977 : f32
    %jit3A_12 = arith.constant 9.900000e-01 : f32
    %max3A_13 = vector.broadcast %jit3A : f32 to vector<16xf32>
    %max3A_14 = arith.maximumf %max3A_13, %div3A_11 : vector<16xf32>
    %min3A = vector.broadcast %jit3A_12 : f32 to vector<16xf32>
    %min3A_15 = arith.minimumf %min3A, %max3A_14 : vector<16xf32>
    %div3A_16 = arith.divf %slice3A_3, %max3A_10 : vector<16xf32>
    %sub3A = arith.subf %div3A_16, %min3A_15 : vector<16xf32>
    %abs3A = math.absf %sub3A : vector<16xf32>
    %mul3A = arith.mulf %abs3A, %div3A_6 : vector<16xf32>
    %jit3A_17 = arith.constant 0.000000e+00 : f32
    %broadcast_in_dim3A = vector.broadcast %jit3A_17 : f32 to vector<16xf32>
    %select_n3A = arith.select %gt3A_8, %mul3A, %broadcast_in_dim3A : vector<16xi1>, vector<16xf32>
    %reduce_sum3A_18 = vector.shape_cast %select_n3A : vector<16xf32> to vector<1x16xf32>
    %reduce_sum3A_19 = arith.constant dense<0.000000e+00> : vector<1xf32>
    %reduce_sum3A_20 = vector.multi_reduction <add>, %reduce_sum3A_18, %reduce_sum3A_19 [1] : vector<1x16xf32> to vector<1xf32>
    %reduce_sum3A_21 = vector.shape_cast %reduce_sum3A_20 : vector<1xf32> to vector<1x1xf32>
    %reduce_sum3A_22 = vector.extract %reduce_sum3A_21[0, 0] : f32 from vector<1x1xf32>
    %reshape3A = vector.broadcast %reduce_sum3A_22 : f32 to vector<1xf32>
    %swap3A = arith.constant 0 : index
    %swap3A_23 = vector.load %arg1[%swap3A] : memref<1xf32, #tpu.memory_space<vmem>>, vector<1xf32>
    tpu.vector_store %arg1[%swap3A], %reshape3A {strides = array<i32>} : memref<1xf32, #tpu.memory_space<vmem>>, vector<1xf32>,
    return
  }
}

module attributes {stable_mosaic.version = 14 : i64} {
  func.func @_dense_body(%arg0: i32, %arg1: memref<65536x1000xf32, #tpu.memory_space<any>>, %arg2: memref<4096xi32, #tpu.memory_space<vmem>>, %arg3: memref<16xf32, #tpu.memory_space<vmem>>, %arg4: memref<4096xf32, #tpu.memory_space<vmem>>, %arg5: memref<4096xf32, #tpu.memory_space<vmem>>, %arg6: memref<4096xi32, #tpu.memory_space<vmem>>, %arg7: memref<1024x1000xf32, #tpu.memory_space<vmem>>, %arg8: memref<1024x1000xf32, #tpu.memory_space<vmem>>, %arg9: memref<1024x1000xf32, #tpu.memory_space<vmem>>, %arg10: memref<1024x1000xf32, #tpu.memory_space<vmem>>, %arg11: memref<!tpu.dma_semaphore, #tpu.memory_space<semaphore_mem>>, %arg12: memref<!tpu.dma_semaphore, #tpu.memory_space<semaphore_mem>>, %arg13: memref<!tpu.dma_semaphore, #tpu.memory_space<semaphore_mem>>, %arg14: memref<!tpu.dma_semaphore, #tpu.memory_space<semaphore_mem>>) attributes {dimension_semantics = [#tpu.dimension_semantics<arbitrary>], iteration_bounds = array<i64: 16>, scalar_prefetch = 0 : i64, scratch_operands = 8 : i64, tpu.core_type = #tpu.core_type<tc>, window_params = [{}, {transform_indices = @transform_1, window_bounds = array<i64: 4096>}, {pipeline_mode = #tpu.pipeline_mode<synchronous>, transform_indices = @transform_2, window_bounds = array<i64: 16>}, {transform_indices = @transform_3, window_bounds = array<i64: 4096>}, {transform_indices = @transform_4, window_bounds = array<i64: 4096>}, {transform_indices = @transform_5, window_bounds = array<i64: 4096>}]} {
    %eq3A = arith.constant 0 : i32
    %eq3A_0 = arith.cmpi eq, %arg0, %eq3A : i32
    %convert_element_type3A = arith.extui %eq3A_0 : i1 to i32
    %cond3A = arith.constant 0 : i32
    %cond3A_1 = arith.cmpi ne, %convert_element_type3A, %cond3A : i32
    scf.if %cond3A_1 {
      %dma_start3A = arith.constant 0 : i32
      %dma_start3A_271 = arith.constant 0 : i32
      %dma_start3A_272 = tpu.memref_slice %arg1[%dma_start3A, %dma_start3A_271] : memref<65536x1000xf32, #tpu.memory_space<any>> -> memref<1024x1000xf32, #tpu.memory_space<any>>
      tpu.enqueue_dma source(%dma_start3A_272 : memref<1024x1000xf32, #tpu.memory_space<any>>) target(%arg7 : memref<1024x1000xf32, #tpu.memory_space<vmem>>) target_semaphore(%arg11 : memref<!tpu.dma_semaphore, #tpu.memory_space<semaphore_mem>>)
      %dma_start3A_273 = arith.constant 1024 : i32
      %dma_start3A_274 = arith.constant 0 : i32
      %dma_start3A_275 = tpu.memref_slice %arg1[%dma_start3A_273, %dma_start3A_274] : memref<65536x1000xf32, #tpu.memory_space<any>> -> memref<1024x1000xf32, #tpu.memory_space<any>>
      tpu.enqueue_dma source(%dma_start3A_275 : memref<1024x1000xf32, #tpu.memory_space<any>>) target(%arg8 : memref<1024x1000xf32, #tpu.memory_space<vmem>>) target_semaphore(%arg12 : memref<!tpu.dma_semaphore, #tpu.memory_space<semaphore_mem>>)
      %dma_start3A_276 = arith.constant 2048 : i32
      %dma_start3A_277 = arith.constant 0 : i32
      %dma_start3A_278 = tpu.memref_slice %arg1[%dma_start3A_276, %dma_start3A_277] : memref<65536x1000xf32, #tpu.memory_space<any>> -> memref<1024x1000xf32, #tpu.memory_space<any>>
      tpu.enqueue_dma source(%dma_start3A_278 : memref<1024x1000xf32, #tpu.memory_space<any>>) target(%arg9 : memref<1024x1000xf32, #tpu.memory_space<vmem>>) target_semaphore(%arg13 : memref<!tpu.dma_semaphore, #tpu.memory_space<semaphore_mem>>)
      %dma_start3A_279 = arith.constant 3072 : i32
      %dma_start3A_280 = arith.constant 0 : i32
      %dma_start3A_281 = tpu.memref_slice %arg1[%dma_start3A_279, %dma_start3A_280] : memref<65536x1000xf32, #tpu.memory_space<any>> -> memref<1024x1000xf32, #tpu.memory_space<any>>
      tpu.enqueue_dma source(%dma_start3A_281 : memref<1024x1000xf32, #tpu.memory_space<any>>) target(%arg10 : memref<1024x1000xf32, #tpu.memory_space<vmem>>) target_semaphore(%arg14 : memref<!tpu.dma_semaphore, #tpu.memory_space<semaphore_mem>>)
    } else {
    }
    %mul3A = arith.constant 4 : i32
    %mul3A_2 = arith.muli %arg0, %mul3A : i32
    %add3A = arith.constant 0 : i32
    %add3A_3 = arith.addi %mul3A_2, %add3A : i32
    %mul3A_4 = arith.constant 1024 : i32
    %mul3A_5 = arith.muli %add3A_3, %mul3A_4 : i32
    %dma_wait3A = arith.constant 0 : i32
    %dma_wait3A_6 = tpu.memref_slice %arg1[%mul3A_5, %dma_wait3A] : memref<65536x1000xf32, #tpu.memory_space<any>> -> memref<1024x1000xf32, #tpu.memory_space<any>>
    tpu.wait_dma2 semaphore(%arg11 : memref<!tpu.dma_semaphore, #tpu.memory_space<semaphore_mem>>) src(%dma_wait3A_6 : memref<1024x1000xf32, #tpu.memory_space<any>>) dst(%arg7 : memref<1024x1000xf32, #tpu.memory_space<vmem>>)
    %get3A = arith.constant 0 : index
    %get3A_7 = arith.constant 0 : index
    %get3A_8 = vector.load %arg7[%get3A, %get3A_7] : memref<1024x1000xf32, #tpu.memory_space<vmem>>, vector<1024x1000xf32>
    %reduce_max3A = arith.constant dense<0xFF800000> : vector<1024xf32>
    %reduce_max3A_9 = vector.multi_reduction <maximumf>, %get3A_8, %reduce_max3A [1] : vector<1024x1000xf32> to vector<1024xf32>
    %broadcast_in_dim3A = vector.shape_cast %reduce_max3A_9 : vector<1024xf32> to vector<1024x1xf32>
    %sub3A = vector.broadcast %broadcast_in_dim3A : vector<1024x1xf32> to vector<1024x1000xf32>
    %sub3A_10 = arith.subf %get3A_8, %sub3A : vector<1024x1000xf32>
    %exp3A = math.exp %sub3A_10 : vector<1024x1000xf32>
    %broadcast_in_dim3A_11 = arith.constant 1.000000e+00 : f32
    %broadcast_in_dim3A_12 = vector.broadcast %broadcast_in_dim3A_11 : f32 to vector<1000x128xf32>
    %dot_general3A = arith.constant dense<0.000000e+00> : vector<1024x128xf32>
    %dot_general3A_13 = tpu.matmul %exp3A, %broadcast_in_dim3A_12, %dot_general3A {dimension_numbers = #tpu.dot_dimension_numbers<[1], [0], [0], [1], [0, 0, 1, 1], [], []>, transpose_lhs_hint = false} : vector<1024x1000xf32>, vector<1000x128xf32>, vector<1024x128xf32> -> vector<1024x128xf32>
    %slice3A = vector.extract_strided_slice %dot_general3A_13 {offsets = [0, 0], sizes = [1024, 1], strides = [1, 1]} : vector<1024x128xf32> to vector<1024x1xf32>
    %squeeze3A = vector.shape_cast %slice3A : vector<1024x1xf32> to vector<1024xf32>
    %div3A = arith.constant 1.000000e+00 : f32
    %div3A_14 = vector.broadcast %div3A : f32 to vector<1024xf32>
    %div3A_15 = arith.divf %div3A_14, %squeeze3A : vector<1024xf32>
    %eq3A_16 = arith.constant 1.000000e+00 : f32
    %eq3A_17 = vector.broadcast %eq3A_16 : f32 to vector<1024xf32>
    %eq3A_18 = arith.cmpf oeq, %div3A_15, %eq3A_17 : vector<1024xf32>
    %jit3A = arith.constant 0.999998986 : f32
    %broadcast_in_dim3A_19 = vector.broadcast %jit3A : f32 to vector<1024xf32>
    %select_n3A = arith.select %eq3A_18, %broadcast_in_dim3A_19, %div3A_15 : vector<1024xi1>, vector<1024xf32>
    %iota3A = tpu.iota {dimensions = array<i32: 1>} : vector<1024x1000xi32>
    %get3A_20 = arith.constant 0 : index
    %get3A_21 = vector.load %arg2[%get3A_20] : memref<4096xi32, #tpu.memory_space<vmem>>, vector<1024xi32>
    %broadcast_in_dim3A_22 = vector.shape_cast %get3A_21 : vector<1024xi32> to vector<1024x1xi32>
    %eq3A_23 = vector.broadcast %broadcast_in_dim3A_22 : vector<1024x1xi32> to vector<1024x1000xi32>
    %eq3A_24 = arith.cmpi eq, %iota3A, %eq3A_23 : vector<1024x1000xi32>
    %jit3A_25 = arith.constant -3.000000e+38 : f32
    %broadcast_in_dim3A_26 = vector.broadcast %jit3A_25 : f32 to vector<1024x1000xf32>
    %select_n3A_27 = arith.select %eq3A_24, %get3A_8, %broadcast_in_dim3A_26 : vector<1024x1000xi1>, vector<1024x1000xf32>
    %reduce_max3A_28 = arith.constant dense<0xFF800000> : vector<1024xf32>
    %reduce_max3A_29 = vector.multi_reduction <maximumf>, %select_n3A_27, %reduce_max3A_28 [1] : vector<1024x1000xf32> to vector<1024xf32>
    %eq3A_30 = arith.cmpf oeq, %reduce_max3A_29, %reduce_max3A_9 : vector<1024xf32>
    %convert_element_type3A_31 = arith.extui %eq3A_30 : vector<1024xi1> to vector<1024xi32>
    %convert_element_type3A_32 = arith.sitofp %convert_element_type3A_31 : vector<1024xi32> to vector<1024xf32>
    %add3A_33 = arith.constant 4 : i32
    %add3A_34 = arith.addi %add3A_3, %add3A_33 : i32
    %lt3A = arith.constant 64 : i32
    %lt3A_35 = arith.cmpi slt, %add3A_34, %lt3A : i32
    %convert_element_type3A_36 = arith.extui %lt3A_35 : i1 to i32
    %cond3A_37 = arith.constant 0 : i32
    %cond3A_38 = arith.cmpi ne, %convert_element_type3A_36, %cond3A_37 : i32
    scf.if %cond3A_38 {
      %add3A_271 = arith.constant 4 : i32
      %add3A_272 = arith.addi %add3A_3, %add3A_271 : i32
      %mul3A_273 = arith.constant 1024 : i32
      %mul3A_274 = arith.muli %add3A_272, %mul3A_273 : i32
      %dma_start3A = arith.constant 0 : i32
      %dma_start3A_275 = tpu.memref_slice %arg1[%mul3A_274, %dma_start3A] : memref<65536x1000xf32, #tpu.memory_space<any>> -> memref<1024x1000xf32, #tpu.memory_space<any>>
      tpu.enqueue_dma source(%dma_start3A_275 : memref<1024x1000xf32, #tpu.memory_space<any>>) target(%arg7 : memref<1024x1000xf32, #tpu.memory_space<vmem>>) target_semaphore(%arg11 : memref<!tpu.dma_semaphore, #tpu.memory_space<semaphore_mem>>)
    } else {
    }
    %get3A_39 = arith.constant 0 : index
    %get3A_40 = vector.load %arg3[%get3A_39] : memref<16xf32, #tpu.memory_space<vmem>>, vector<16xf32>
    %broadcast_in_dim3A_41 = vector.shape_cast %select_n3A : vector<1024xf32> to vector<1024x1xf32>
    %broadcast_in_dim3A_42 = vector.shape_cast %get3A_40 : vector<16xf32> to vector<1x16xf32>
    %gt3A = vector.broadcast %broadcast_in_dim3A_41 : vector<1024x1xf32> to vector<1024x16xf32>
    %gt3A_43 = vector.broadcast %broadcast_in_dim3A_42 : vector<1x16xf32> to vector<1024x16xf32>
    %gt3A_44 = arith.cmpf ogt, %gt3A, %gt3A_43 : vector<1024x16xf32>
    %convert_element_type3A_45 = arith.extui %gt3A_44 : vector<1024x16xi1> to vector<1024x16xi32>
    %reduce_sum3A = arith.constant dense<0> : vector<1024xi32>
    %reduce_sum3A_46 = vector.multi_reduction <add>, %convert_element_type3A_45, %reduce_sum3A [1] : vector<1024x16xi32> to vector<1024xi32>
    %sub3A_47 = arith.constant 1 : i32
    %sub3A_48 = vector.broadcast %sub3A_47 : i32 to vector<1024xi32>
    %sub3A_49 = arith.subi %reduce_sum3A_46, %sub3A_48 : vector<1024xi32>
    %swap3A = arith.constant 0 : index
    %swap3A_50 = vector.load %arg4[%swap3A] : memref<4096xf32, #tpu.memory_space<vmem>>, vector<1024xf32>
    tpu.vector_store %arg4[%swap3A], %select_n3A {strides = array<i32>} : memref<4096xf32, #tpu.memory_space<vmem>>, vector<1024xf32>,
    %swap3A_51 = arith.constant 0 : index
    %swap3A_52 = vector.load %arg5[%swap3A_51] : memref<4096xf32, #tpu.memory_space<vmem>>, vector<1024xf32>
    tpu.vector_store %arg5[%swap3A_51], %convert_element_type3A_32 {strides = array<i32>} : memref<4096xf32, #tpu.memory_space<vmem>>, vector<1024xf32>,
    %swap3A_53 = arith.constant 0 : index
    %swap3A_54 = vector.load %arg6[%swap3A_53] : memref<4096xi32, #tpu.memory_space<vmem>>, vector<1024xi32>
    tpu.vector_store %arg6[%swap3A_53], %sub3A_49 {strides = array<i32>} : memref<4096xi32, #tpu.memory_space<vmem>>, vector<1024xi32>,
    %mul3A_55 = arith.constant 4 : i32
    %mul3A_56 = arith.muli %arg0, %mul3A_55 : i32
    %add3A_57 = arith.constant 1 : i32
    %add3A_58 = arith.addi %mul3A_56, %add3A_57 : i32
    %mul3A_59 = arith.constant 1024 : i32
    %mul3A_60 = arith.muli %add3A_58, %mul3A_59 : i32
    %dma_wait3A_61 = arith.constant 0 : i32
    %dma_wait3A_62 = tpu.memref_slice %arg1[%mul3A_60, %dma_wait3A_61] : memref<65536x1000xf32, #tpu.memory_space<any>> -> memref<1024x1000xf32, #tpu.memory_space<any>>
    tpu.wait_dma2 semaphore(%arg12 : memref<!tpu.dma_semaphore, #tpu.memory_space<semaphore_mem>>) src(%dma_wait3A_62 : memref<1024x1000xf32, #tpu.memory_space<any>>) dst(%arg8 : memref<1024x1000xf32, #tpu.memory_space<vmem>>)
    %get3A_63 = arith.constant 0 : index
    %get3A_64 = arith.constant 0 : index
    %get3A_65 = vector.load %arg8[%get3A_63, %get3A_64] : memref<1024x1000xf32, #tpu.memory_space<vmem>>, vector<1024x1000xf32>
    %reduce_max3A_66 = arith.constant dense<0xFF800000> : vector<1024xf32>
    %reduce_max3A_67 = vector.multi_reduction <maximumf>, %get3A_65, %reduce_max3A_66 [1] : vector<1024x1000xf32> to vector<1024xf32>
    %broadcast_in_dim3A_68 = vector.shape_cast %reduce_max3A_67 : vector<1024xf32> to vector<1024x1xf32>
    %sub3A_69 = vector.broadcast %broadcast_in_dim3A_68 : vector<1024x1xf32> to vector<1024x1000xf32>
    %sub3A_70 = arith.subf %get3A_65, %sub3A_69 : vector<1024x1000xf32>
    %exp3A_71 = math.exp %sub3A_70 : vector<1024x1000xf32>
    %broadcast_in_dim3A_72 = arith.constant 1.000000e+00 : f32
    %broadcast_in_dim3A_73 = vector.broadcast %broadcast_in_dim3A_72 : f32 to vector<1000x128xf32>
    %dot_general3A_74 = arith.constant dense<0.000000e+00> : vector<1024x128xf32>
    %dot_general3A_75 = tpu.matmul %exp3A_71, %broadcast_in_dim3A_73, %dot_general3A_74 {dimension_numbers = #tpu.dot_dimension_numbers<[1], [0], [0], [1], [0, 0, 1, 1], [], []>, transpose_lhs_hint = false} : vector<1024x1000xf32>, vector<1000x128xf32>, vector<1024x128xf32> -> vector<1024x128xf32>
    %slice3A_76 = vector.extract_strided_slice %dot_general3A_75 {offsets = [0, 0], sizes = [1024, 1], strides = [1, 1]} : vector<1024x128xf32> to vector<1024x1xf32>
    %squeeze3A_77 = vector.shape_cast %slice3A_76 : vector<1024x1xf32> to vector<1024xf32>
    %div3A_78 = arith.constant 1.000000e+00 : f32
    %div3A_79 = vector.broadcast %div3A_78 : f32 to vector<1024xf32>
    %div3A_80 = arith.divf %div3A_79, %squeeze3A_77 : vector<1024xf32>
    %eq3A_81 = arith.constant 1.000000e+00 : f32
    %eq3A_82 = vector.broadcast %eq3A_81 : f32 to vector<1024xf32>
    %eq3A_83 = arith.cmpf oeq, %div3A_80, %eq3A_82 : vector<1024xf32>
    %jit3A_84 = arith.constant 0.999998986 : f32
    %broadcast_in_dim3A_85 = vector.broadcast %jit3A_84 : f32 to vector<1024xf32>
    %select_n3A_86 = arith.select %eq3A_83, %broadcast_in_dim3A_85, %div3A_80 : vector<1024xi1>, vector<1024xf32>
    %iota3A_87 = tpu.iota {dimensions = array<i32: 1>} : vector<1024x1000xi32>
    %get3A_88 = arith.constant 1024 : index
    %get3A_89 = vector.load %arg2[%get3A_88] : memref<4096xi32, #tpu.memory_space<vmem>>, vector<1024xi32>
    %broadcast_in_dim3A_90 = vector.shape_cast %get3A_89 : vector<1024xi32> to vector<1024x1xi32>
    %eq3A_91 = vector.broadcast %broadcast_in_dim3A_90 : vector<1024x1xi32> to vector<1024x1000xi32>
    %eq3A_92 = arith.cmpi eq, %iota3A_87, %eq3A_91 : vector<1024x1000xi32>
    %jit3A_93 = arith.constant -3.000000e+38 : f32
    %broadcast_in_dim3A_94 = vector.broadcast %jit3A_93 : f32 to vector<1024x1000xf32>
    %select_n3A_95 = arith.select %eq3A_92, %get3A_65, %broadcast_in_dim3A_94 : vector<1024x1000xi1>, vector<1024x1000xf32>
    %reduce_max3A_96 = arith.constant dense<0xFF800000> : vector<1024xf32>
    %reduce_max3A_97 = vector.multi_reduction <maximumf>, %select_n3A_95, %reduce_max3A_96 [1] : vector<1024x1000xf32> to vector<1024xf32>
    %eq3A_98 = arith.cmpf oeq, %reduce_max3A_97, %reduce_max3A_67 : vector<1024xf32>
    %convert_element_type3A_99 = arith.extui %eq3A_98 : vector<1024xi1> to vector<1024xi32>
    %convert_element_type3A_100 = arith.sitofp %convert_element_type3A_99 : vector<1024xi32> to vector<1024xf32>
    %add3A_101 = arith.constant 4 : i32
    %add3A_102 = arith.addi %add3A_58, %add3A_101 : i32
    %lt3A_103 = arith.constant 64 : i32
    %lt3A_104 = arith.cmpi slt, %add3A_102, %lt3A_103 : i32
    %convert_element_type3A_105 = arith.extui %lt3A_104 : i1 to i32
    %cond3A_106 = arith.constant 0 : i32
    %cond3A_107 = arith.cmpi ne, %convert_element_type3A_105, %cond3A_106 : i32
    scf.if %cond3A_107 {
      %add3A_271 = arith.constant 4 : i32
      %add3A_272 = arith.addi %add3A_58, %add3A_271 : i32
      %mul3A_273 = arith.constant 1024 : i32
      %mul3A_274 = arith.muli %add3A_272, %mul3A_273 : i32
      %dma_start3A = arith.constant 0 : i32
      %dma_start3A_275 = tpu.memref_slice %arg1[%mul3A_274, %dma_start3A] : memref<65536x1000xf32, #tpu.memory_space<any>> -> memref<1024x1000xf32, #tpu.memory_space<any>>
      tpu.enqueue_dma source(%dma_start3A_275 : memref<1024x1000xf32, #tpu.memory_space<any>>) target(%arg8 : memref<1024x1000xf32, #tpu.memory_space<vmem>>) target_semaphore(%arg12 : memref<!tpu.dma_semaphore, #tpu.memory_space<semaphore_mem>>)
    } else {
    }
    %get3A_108 = arith.constant 0 : index
    %get3A_109 = vector.load %arg3[%get3A_108] : memref<16xf32, #tpu.memory_space<vmem>>, vector<16xf32>
    %broadcast_in_dim3A_110 = vector.shape_cast %select_n3A_86 : vector<1024xf32> to vector<1024x1xf32>
    %broadcast_in_dim3A_111 = vector.shape_cast %get3A_109 : vector<16xf32> to vector<1x16xf32>
    %gt3A_112 = vector.broadcast %broadcast_in_dim3A_110 : vector<1024x1xf32> to vector<1024x16xf32>
    %gt3A_113 = vector.broadcast %broadcast_in_dim3A_111 : vector<1x16xf32> to vector<1024x16xf32>
    %gt3A_114 = arith.cmpf ogt, %gt3A_112, %gt3A_113 : vector<1024x16xf32>
    %convert_element_type3A_115 = arith.extui %gt3A_114 : vector<1024x16xi1> to vector<1024x16xi32>
    %reduce_sum3A_116 = arith.constant dense<0> : vector<1024xi32>
    %reduce_sum3A_117 = vector.multi_reduction <add>, %convert_element_type3A_115, %reduce_sum3A_116 [1] : vector<1024x16xi32> to vector<1024xi32>
    %sub3A_118 = arith.constant 1 : i32
    %sub3A_119 = vector.broadcast %sub3A_118 : i32 to vector<1024xi32>
    %sub3A_120 = arith.subi %reduce_sum3A_117, %sub3A_119 : vector<1024xi32>
    %swap3A_121 = arith.constant 1024 : index
    %swap3A_122 = vector.load %arg4[%swap3A_121] : memref<4096xf32, #tpu.memory_space<vmem>>, vector<1024xf32>
    tpu.vector_store %arg4[%swap3A_121], %select_n3A_86 {strides = array<i32>} : memref<4096xf32, #tpu.memory_space<vmem>>, vector<1024xf32>,
    %swap3A_123 = arith.constant 1024 : index
    %swap3A_124 = vector.load %arg5[%swap3A_123] : memref<4096xf32, #tpu.memory_space<vmem>>, vector<1024xf32>
    tpu.vector_store %arg5[%swap3A_123], %convert_element_type3A_100 {strides = array<i32>} : memref<4096xf32, #tpu.memory_space<vmem>>, vector<1024xf32>,
    %swap3A_125 = arith.constant 1024 : index
    %swap3A_126 = vector.load %arg6[%swap3A_125] : memref<4096xi32, #tpu.memory_space<vmem>>, vector<1024xi32>
    tpu.vector_store %arg6[%swap3A_125], %sub3A_120 {strides = array<i32>} : memref<4096xi32, #tpu.memory_space<vmem>>, vector<1024xi32>,
    %mul3A_127 = arith.constant 4 : i32
    %mul3A_128 = arith.muli %arg0, %mul3A_127 : i32
    %add3A_129 = arith.constant 2 : i32
    %add3A_130 = arith.addi %mul3A_128, %add3A_129 : i32
    %mul3A_131 = arith.constant 1024 : i32
    %mul3A_132 = arith.muli %add3A_130, %mul3A_131 : i32
    %dma_wait3A_133 = arith.constant 0 : i32
    %dma_wait3A_134 = tpu.memref_slice %arg1[%mul3A_132, %dma_wait3A_133] : memref<65536x1000xf32, #tpu.memory_space<any>> -> memref<1024x1000xf32, #tpu.memory_space<any>>
    tpu.wait_dma2 semaphore(%arg13 : memref<!tpu.dma_semaphore, #tpu.memory_space<semaphore_mem>>) src(%dma_wait3A_134 : memref<1024x1000xf32, #tpu.memory_space<any>>) dst(%arg9 : memref<1024x1000xf32, #tpu.memory_space<vmem>>)
    %get3A_135 = arith.constant 0 : index
    %get3A_136 = arith.constant 0 : index
    %get3A_137 = vector.load %arg9[%get3A_135, %get3A_136] : memref<1024x1000xf32, #tpu.memory_space<vmem>>, vector<1024x1000xf32>
    %reduce_max3A_138 = arith.constant dense<0xFF800000> : vector<1024xf32>
    %reduce_max3A_139 = vector.multi_reduction <maximumf>, %get3A_137, %reduce_max3A_138 [1] : vector<1024x1000xf32> to vector<1024xf32>
    %broadcast_in_dim3A_140 = vector.shape_cast %reduce_max3A_139 : vector<1024xf32> to vector<1024x1xf32>
    %sub3A_141 = vector.broadcast %broadcast_in_dim3A_140 : vector<1024x1xf32> to vector<1024x1000xf32>
    %sub3A_142 = arith.subf %get3A_137, %sub3A_141 : vector<1024x1000xf32>
    %exp3A_143 = math.exp %sub3A_142 : vector<1024x1000xf32>
    %broadcast_in_dim3A_144 = arith.constant 1.000000e+00 : f32
    %broadcast_in_dim3A_145 = vector.broadcast %broadcast_in_dim3A_144 : f32 to vector<1000x128xf32>
    %dot_general3A_146 = arith.constant dense<0.000000e+00> : vector<1024x128xf32>
    %dot_general3A_147 = tpu.matmul %exp3A_143, %broadcast_in_dim3A_145, %dot_general3A_146 {dimension_numbers = #tpu.dot_dimension_numbers<[1], [0], [0], [1], [0, 0, 1, 1], [], []>, transpose_lhs_hint = false} : vector<1024x1000xf32>, vector<1000x128xf32>, vector<1024x128xf32> -> vector<1024x128xf32>
    %slice3A_148 = vector.extract_strided_slice %dot_general3A_147 {offsets = [0, 0], sizes = [1024, 1], strides = [1, 1]} : vector<1024x128xf32> to vector<1024x1xf32>
    %squeeze3A_149 = vector.shape_cast %slice3A_148 : vector<1024x1xf32> to vector<1024xf32>
    %div3A_150 = arith.constant 1.000000e+00 : f32
    %div3A_151 = vector.broadcast %div3A_150 : f32 to vector<1024xf32>
    %div3A_152 = arith.divf %div3A_151, %squeeze3A_149 : vector<1024xf32>
    %eq3A_153 = arith.constant 1.000000e+00 : f32
    %eq3A_154 = vector.broadcast %eq3A_153 : f32 to vector<1024xf32>
    %eq3A_155 = arith.cmpf oeq, %div3A_152, %eq3A_154 : vector<1024xf32>
    %jit3A_156 = arith.constant 0.999998986 : f32
    %broadcast_in_dim3A_157 = vector.broadcast %jit3A_156 : f32 to vector<1024xf32>
    %select_n3A_158 = arith.select %eq3A_155, %broadcast_in_dim3A_157, %div3A_152 : vector<1024xi1>, vector<1024xf32>
    %iota3A_159 = tpu.iota {dimensions = array<i32: 1>} : vector<1024x1000xi32>
    %get3A_160 = arith.constant 2048 : index
    %get3A_161 = vector.load %arg2[%get3A_160] : memref<4096xi32, #tpu.memory_space<vmem>>, vector<1024xi32>
    %broadcast_in_dim3A_162 = vector.shape_cast %get3A_161 : vector<1024xi32> to vector<1024x1xi32>
    %eq3A_163 = vector.broadcast %broadcast_in_dim3A_162 : vector<1024x1xi32> to vector<1024x1000xi32>
    %eq3A_164 = arith.cmpi eq, %iota3A_159, %eq3A_163 : vector<1024x1000xi32>
    %jit3A_165 = arith.constant -3.000000e+38 : f32
    %broadcast_in_dim3A_166 = vector.broadcast %jit3A_165 : f32 to vector<1024x1000xf32>
    %select_n3A_167 = arith.select %eq3A_164, %get3A_137, %broadcast_in_dim3A_166 : vector<1024x1000xi1>, vector<1024x1000xf32>
    %reduce_max3A_168 = arith.constant dense<0xFF800000> : vector<1024xf32>
    %reduce_max3A_169 = vector.multi_reduction <maximumf>, %select_n3A_167, %reduce_max3A_168 [1] : vector<1024x1000xf32> to vector<1024xf32>
    %eq3A_170 = arith.cmpf oeq, %reduce_max3A_169, %reduce_max3A_139 : vector<1024xf32>
    %convert_element_type3A_171 = arith.extui %eq3A_170 : vector<1024xi1> to vector<1024xi32>
    %convert_element_type3A_172 = arith.sitofp %convert_element_type3A_171 : vector<1024xi32> to vector<1024xf32>
    %add3A_173 = arith.constant 4 : i32
    %add3A_174 = arith.addi %add3A_130, %add3A_173 : i32
    %lt3A_175 = arith.constant 64 : i32
    %lt3A_176 = arith.cmpi slt, %add3A_174, %lt3A_175 : i32
    %convert_element_type3A_177 = arith.extui %lt3A_176 : i1 to i32
    %cond3A_178 = arith.constant 0 : i32
    %cond3A_179 = arith.cmpi ne, %convert_element_type3A_177, %cond3A_178 : i32
    scf.if %cond3A_179 {
      %add3A_271 = arith.constant 4 : i32
      %add3A_272 = arith.addi %add3A_130, %add3A_271 : i32
      %mul3A_273 = arith.constant 1024 : i32
      %mul3A_274 = arith.muli %add3A_272, %mul3A_273 : i32
      %dma_start3A = arith.constant 0 : i32
      %dma_start3A_275 = tpu.memref_slice %arg1[%mul3A_274, %dma_start3A] : memref<65536x1000xf32, #tpu.memory_space<any>> -> memref<1024x1000xf32, #tpu.memory_space<any>>
      tpu.enqueue_dma source(%dma_start3A_275 : memref<1024x1000xf32, #tpu.memory_space<any>>) target(%arg9 : memref<1024x1000xf32, #tpu.memory_space<vmem>>) target_semaphore(%arg13 : memref<!tpu.dma_semaphore, #tpu.memory_space<semaphore_mem>>)
    } else {
    }
    %get3A_180 = arith.constant 0 : index
    %get3A_181 = vector.load %arg3[%get3A_180] : memref<16xf32, #tpu.memory_space<vmem>>, vector<16xf32>
    %broadcast_in_dim3A_182 = vector.shape_cast %select_n3A_158 : vector<1024xf32> to vector<1024x1xf32>
    %broadcast_in_dim3A_183 = vector.shape_cast %get3A_181 : vector<16xf32> to vector<1x16xf32>
    %gt3A_184 = vector.broadcast %broadcast_in_dim3A_182 : vector<1024x1xf32> to vector<1024x16xf32>
    %gt3A_185 = vector.broadcast %broadcast_in_dim3A_183 : vector<1x16xf32> to vector<1024x16xf32>
    %gt3A_186 = arith.cmpf ogt, %gt3A_184, %gt3A_185 : vector<1024x16xf32>
    %convert_element_type3A_187 = arith.extui %gt3A_186 : vector<1024x16xi1> to vector<1024x16xi32>
    %reduce_sum3A_188 = arith.constant dense<0> : vector<1024xi32>
    %reduce_sum3A_189 = vector.multi_reduction <add>, %convert_element_type3A_187, %reduce_sum3A_188 [1] : vector<1024x16xi32> to vector<1024xi32>
    %sub3A_190 = arith.constant 1 : i32
    %sub3A_191 = vector.broadcast %sub3A_190 : i32 to vector<1024xi32>
    %sub3A_192 = arith.subi %reduce_sum3A_189, %sub3A_191 : vector<1024xi32>
    %swap3A_193 = arith.constant 2048 : index
    %swap3A_194 = vector.load %arg4[%swap3A_193] : memref<4096xf32, #tpu.memory_space<vmem>>, vector<1024xf32>
    tpu.vector_store %arg4[%swap3A_193], %select_n3A_158 {strides = array<i32>} : memref<4096xf32, #tpu.memory_space<vmem>>, vector<1024xf32>,
    %swap3A_195 = arith.constant 2048 : index
    %swap3A_196 = vector.load %arg5[%swap3A_195] : memref<4096xf32, #tpu.memory_space<vmem>>, vector<1024xf32>
    tpu.vector_store %arg5[%swap3A_195], %convert_element_type3A_172 {strides = array<i32>} : memref<4096xf32, #tpu.memory_space<vmem>>, vector<1024xf32>,
    %swap3A_197 = arith.constant 2048 : index
    %swap3A_198 = vector.load %arg6[%swap3A_197] : memref<4096xi32, #tpu.memory_space<vmem>>, vector<1024xi32>
    tpu.vector_store %arg6[%swap3A_197], %sub3A_192 {strides = array<i32>} : memref<4096xi32, #tpu.memory_space<vmem>>, vector<1024xi32>,
    %mul3A_199 = arith.constant 4 : i32
    %mul3A_200 = arith.muli %arg0, %mul3A_199 : i32
    %add3A_201 = arith.constant 3 : i32
    %add3A_202 = arith.addi %mul3A_200, %add3A_201 : i32
    %mul3A_203 = arith.constant 1024 : i32
    %mul3A_204 = arith.muli %add3A_202, %mul3A_203 : i32
    %dma_wait3A_205 = arith.constant 0 : i32
    %dma_wait3A_206 = tpu.memref_slice %arg1[%mul3A_204, %dma_wait3A_205] : memref<65536x1000xf32, #tpu.memory_space<any>> -> memref<1024x1000xf32, #tpu.memory_space<any>>
    tpu.wait_dma2 semaphore(%arg14 : memref<!tpu.dma_semaphore, #tpu.memory_space<semaphore_mem>>) src(%dma_wait3A_206 : memref<1024x1000xf32, #tpu.memory_space<any>>) dst(%arg10 : memref<1024x1000xf32, #tpu.memory_space<vmem>>)
    %get3A_207 = arith.constant 0 : index
    %get3A_208 = arith.constant 0 : index
    %get3A_209 = vector.load %arg10[%get3A_207, %get3A_208] : memref<1024x1000xf32, #tpu.memory_space<vmem>>, vector<1024x1000xf32>
    %reduce_max3A_210 = arith.constant dense<0xFF800000> : vector<1024xf32>
    %reduce_max3A_211 = vector.multi_reduction <maximumf>, %get3A_209, %reduce_max3A_210 [1] : vector<1024x1000xf32> to vector<1024xf32>
    %broadcast_in_dim3A_212 = vector.shape_cast %reduce_max3A_211 : vector<1024xf32> to vector<1024x1xf32>
    %sub3A_213 = vector.broadcast %broadcast_in_dim3A_212 : vector<1024x1xf32> to vector<1024x1000xf32>
    %sub3A_214 = arith.subf %get3A_209, %sub3A_213 : vector<1024x1000xf32>
    %exp3A_215 = math.exp %sub3A_214 : vector<1024x1000xf32>
    %broadcast_in_dim3A_216 = arith.constant 1.000000e+00 : f32
    %broadcast_in_dim3A_217 = vector.broadcast %broadcast_in_dim3A_216 : f32 to vector<1000x128xf32>
    %dot_general3A_218 = arith.constant dense<0.000000e+00> : vector<1024x128xf32>
    %dot_general3A_219 = tpu.matmul %exp3A_215, %broadcast_in_dim3A_217, %dot_general3A_218 {dimension_numbers = #tpu.dot_dimension_numbers<[1], [0], [0], [1], [0, 0, 1, 1], [], []>, transpose_lhs_hint = false} : vector<1024x1000xf32>, vector<1000x128xf32>, vector<1024x128xf32> -> vector<1024x128xf32>
    %slice3A_220 = vector.extract_strided_slice %dot_general3A_219 {offsets = [0, 0], sizes = [1024, 1], strides = [1, 1]} : vector<1024x128xf32> to vector<1024x1xf32>
    %squeeze3A_221 = vector.shape_cast %slice3A_220 : vector<1024x1xf32> to vector<1024xf32>
    %div3A_222 = arith.constant 1.000000e+00 : f32
    %div3A_223 = vector.broadcast %div3A_222 : f32 to vector<1024xf32>
    %div3A_224 = arith.divf %div3A_223, %squeeze3A_221 : vector<1024xf32>
    %eq3A_225 = arith.constant 1.000000e+00 : f32
    %eq3A_226 = vector.broadcast %eq3A_225 : f32 to vector<1024xf32>
    %eq3A_227 = arith.cmpf oeq, %div3A_224, %eq3A_226 : vector<1024xf32>
    %jit3A_228 = arith.constant 0.999998986 : f32
    %broadcast_in_dim3A_229 = vector.broadcast %jit3A_228 : f32 to vector<1024xf32>
    %select_n3A_230 = arith.select %eq3A_227, %broadcast_in_dim3A_229, %div3A_224 : vector<1024xi1>, vector<1024xf32>
    %iota3A_231 = tpu.iota {dimensions = array<i32: 1>} : vector<1024x1000xi32>
    %get3A_232 = arith.constant 3072 : index
    %get3A_233 = vector.load %arg2[%get3A_232] : memref<4096xi32, #tpu.memory_space<vmem>>, vector<1024xi32>
    %broadcast_in_dim3A_234 = vector.shape_cast %get3A_233 : vector<1024xi32> to vector<1024x1xi32>
    %eq3A_235 = vector.broadcast %broadcast_in_dim3A_234 : vector<1024x1xi32> to vector<1024x1000xi32>
    %eq3A_236 = arith.cmpi eq, %iota3A_231, %eq3A_235 : vector<1024x1000xi32>
    %jit3A_237 = arith.constant -3.000000e+38 : f32
    %broadcast_in_dim3A_238 = vector.broadcast %jit3A_237 : f32 to vector<1024x1000xf32>
    %select_n3A_239 = arith.select %eq3A_236, %get3A_209, %broadcast_in_dim3A_238 : vector<1024x1000xi1>, vector<1024x1000xf32>
    %reduce_max3A_240 = arith.constant dense<0xFF800000> : vector<1024xf32>
    %reduce_max3A_241 = vector.multi_reduction <maximumf>, %select_n3A_239, %reduce_max3A_240 [1] : vector<1024x1000xf32> to vector<1024xf32>
    %eq3A_242 = arith.cmpf oeq, %reduce_max3A_241, %reduce_max3A_211 : vector<1024xf32>
    %convert_element_type3A_243 = arith.extui %eq3A_242 : vector<1024xi1> to vector<1024xi32>
    %convert_element_type3A_244 = arith.sitofp %convert_element_type3A_243 : vector<1024xi32> to vector<1024xf32>
    %add3A_245 = arith.constant 4 : i32
    %add3A_246 = arith.addi %add3A_202, %add3A_245 : i32
    %lt3A_247 = arith.constant 64 : i32
    %lt3A_248 = arith.cmpi slt, %add3A_246, %lt3A_247 : i32
    %convert_element_type3A_249 = arith.extui %lt3A_248 : i1 to i32
    %cond3A_250 = arith.constant 0 : i32
    %cond3A_251 = arith.cmpi ne, %convert_element_type3A_249, %cond3A_250 : i32
    scf.if %cond3A_251 {
      %add3A_271 = arith.constant 4 : i32
      %add3A_272 = arith.addi %add3A_202, %add3A_271 : i32
      %mul3A_273 = arith.constant 1024 : i32
      %mul3A_274 = arith.muli %add3A_272, %mul3A_273 : i32
      %dma_start3A = arith.constant 0 : i32
      %dma_start3A_275 = tpu.memref_slice %arg1[%mul3A_274, %dma_start3A] : memref<65536x1000xf32, #tpu.memory_space<any>> -> memref<1024x1000xf32, #tpu.memory_space<any>>
      tpu.enqueue_dma source(%dma_start3A_275 : memref<1024x1000xf32, #tpu.memory_space<any>>) target(%arg10 : memref<1024x1000xf32, #tpu.memory_space<vmem>>) target_semaphore(%arg14 : memref<!tpu.dma_semaphore, #tpu.memory_space<semaphore_mem>>)
    } else {
    }
    %get3A_252 = arith.constant 0 : index
    %get3A_253 = vector.load %arg3[%get3A_252] : memref<16xf32, #tpu.memory_space<vmem>>, vector<16xf32>
    %broadcast_in_dim3A_254 = vector.shape_cast %select_n3A_230 : vector<1024xf32> to vector<1024x1xf32>
    %broadcast_in_dim3A_255 = vector.shape_cast %get3A_253 : vector<16xf32> to vector<1x16xf32>
    %gt3A_256 = vector.broadcast %broadcast_in_dim3A_254 : vector<1024x1xf32> to vector<1024x16xf32>
    %gt3A_257 = vector.broadcast %broadcast_in_dim3A_255 : vector<1x16xf32> to vector<1024x16xf32>
    %gt3A_258 = arith.cmpf ogt, %gt3A_256, %gt3A_257 : vector<1024x16xf32>
    %convert_element_type3A_259 = arith.extui %gt3A_258 : vector<1024x16xi1> to vector<1024x16xi32>
    %reduce_sum3A_260 = arith.constant dense<0> : vector<1024xi32>
    %reduce_sum3A_261 = vector.multi_reduction <add>, %convert_element_type3A_259, %reduce_sum3A_260 [1] : vector<1024x16xi32> to vector<1024xi32>
    %sub3A_262 = arith.constant 1 : i32
    %sub3A_263 = vector.broadcast %sub3A_262 : i32 to vector<1024xi32>
    %sub3A_264 = arith.subi %reduce_sum3A_261, %sub3A_263 : vector<1024xi32>
    %swap3A_265 = arith.constant 3072 : index
    %swap3A_266 = vector.load %arg4[%swap3A_265] : memref<4096xf32, #tpu.memory_space<vmem>>, vector<1024xf32>
    tpu.vector_store %arg4[%swap3A_265], %select_n3A_230 {strides = array<i32>} : memref<4096xf32, #tpu.memory_space<vmem>>, vector<1024xf32>,
    %swap3A_267 = arith.constant 3072 : index
    %swap3A_268 = vector.load %arg5[%swap3A_267] : memref<4096xf32, #tpu.memory_space<vmem>>, vector<1024xf32>
    tpu.vector_store %arg5[%swap3A_267], %convert_element_type3A_244 {strides = array<i32>} : memref<4096xf32, #tpu.memory_space<vmem>>, vector<1024xf32>,
    %swap3A_269 = arith.constant 3072 : index
    %swap3A_270 = vector.load %arg6[%swap3A_269] : memref<4096xi32, #tpu.memory_space<vmem>>, vector<1024xi32>
    tpu.vector_store %arg6[%swap3A_269], %sub3A_264 {strides = array<i32>} : memref<4096xi32, #tpu.memory_space<vmem>>, vector<1024xi32>,
    return
  }
  func.func @transform_1(%arg0: i32) -> i32 {
    %c0_i32 = arith.constant 0 : i32
    return %arg0 : i32
  }
  func.func @transform_2(%arg0: i32) -> i32 {
    %c0_i32 = arith.constant 0 : i32
    %c0_i32_0 = arith.constant 0 : i32
    return %c0_i32 : i32
  }
  func.func @transform_3(%arg0: i32) -> i32 {
    %c0_i32 = arith.constant 0 : i32
    return %arg0 : i32
  }
  func.func @transform_4(%arg0: i32) -> i32 {
    %c0_i32 = arith.constant 0 : i32
    return %arg0 : i32
  }
  func.func @transform_5(%arg0: i32) -> i32 {
    %c0_i32 = arith.constant 0 : i32
    return %arg0 : i32
  }
}

</mosaic_0001>

<sc_bundles>
// kernel: kernel.5.cloned.1.call-start
scs
__scs_entry_jumppad:
0x0: {  	(pc) =	sbr.rel $0x88, $3  }
0x1: {  	(tag) =	ssettag $0x0;
	lr =	simm.s32 $0x1  }
0x2: {  	[smem:$0x3F9F] =	sst lr;
	_ =	strace $0xD0000000  }
0x3: {  	_ = 	snop  }
0x4: {  	_ = 	snop  }
0x5: {  	_ = 	snop  }
0x6: {  	_ = 	snop  }
0x7: {  	_ = 	snop  }
__scs_overlays_trampoline_lowered:
0x8: {  	[smem:$0x3FAE] =	sst s0  }
0x9: {  	[smem:$0x3FAF] =	sst s1  }
0xa: {  	[smem:$0x3FB0] =	sst s2  }
0xb: {  	[smem:$0x3FB1] =	sst s3  }
0xc: {  	[smem:$0x3FB2] =	sst s4  }
0xd: {  	[smem:$0x3FB3] =	sst s5  }
0xe: {  	[smem:$0x3FB4] =	sst s6  }
0xf: {  	[smem:$0x3FB5] =	sst s7  }
0x10: {  	[smem:$0x3FB6] =	sst s8  }
0x11: {  	[smem:$0x3FB7] =	sst s9;
	s0 =	simm.s32 @!p0 $0x0  }
0x12: {  	s1 =	sld [smem:$0x3F9D];
	s0 =	simm.s32 @p0 $0x1  }
0x13: {  	[smem:$0x3FB8] =	sst s0;
	s0 =	simm.s32 @!p1 $0x0  }
0x14: {  	s2 =	sld [smem:$0x3F9C];
	s0 =	simm.s32 @p1 $0x1  }
0x15: {  	[smem:$0x3FB9] =	sst s0;
	s0 =	simm.s32 @!p2 $0x0  }
0x16: {  	s3 =	sld [smem:$0x3FDB];
	s0 =	simm.s32 @p2 $0x1  }
0x17: {  	s4 =	simm.s32 $0x1BF5;
	[smem:$0x3FBB] =	sst s0  }
0x18: {  	s0 =	sld [smem:$0x3F9E];
	_ =	swait.ge [sflag:s4], $0x0  }
0x19: {  	s7 =	sld [smem:$0x3F9F]  }
0x1a: {  	s8 =	sadd.s32 $0xFFFFE003, lr  }
0x1b: {  	s9 =	sadd.s32 $0xFFFFFEF7, lr;
	s5 =	simm.s32 $0xFFFFFFFF;
	p2 =	slt.u32 s8, $0xFFFFF086  }
0x1c: {  	p1 =	slt.u32 s9, $0xF7A;
	s5 =	simm.s32 @!p2 $0x0  }
0x1d: {  	s5 =	simm.s32 @p1 $0x1;
	p0 =	seq.s32 s7, s2  }
0x1e: {  	s7 =	smul.u32 @!p0 $0xF7A, s2;
	p2 =	seq.s32 @!p0 s5, $0x0  }
0x1f: {  	s9 =	smul.u32 $0xF7A, s1;
	s8 =	simm.s32 @!p0 $0x1BF5;
	p2 =	por !p2, p0  }
0x20: {  	[sflag:s8] =	ssyncset.s32 @!p0 $0xFFFFF086;
	s6 =	sadd.s32 @!p0 s3, s7;
	s7 =	simm.s32 @!p0 $0x108  }
0x21: {  	s3 =	sadd.s32 s3, s9;
	s6 =	sadd.s32 @!p0 $0x88, s6;
	s7 =	simm.s32 @p2 $0x1082  }
0x22: {  	[simem:s7], [sflag:s8] =	dma.local @!p0 [hbm:s6], $0xF7A  }
0x23: {  	s9 =	sor.u32 $0xD0000000, s2;
	s6 =	simm.s32 $0x108;
	_ =	swait.ge @!p0 [sflag:s8], $0x0  }
0x24: {  	s3 =	sadd.s32 $0x88, s3;
	s6 =	simm.s32 @!p1 $0x1082;
	[sflag:s4] =	ssyncset.s32 $0xFFFFF086  }
0x25: {  	[simem:s6], [sflag:s4] =	dma.local [hbm:s3], $0xF7A  }
0x26: {  	[smem:$0x3F9F] =	sst s1;
	(tag) =	ssettag s2;
	_ =	strace s9  }
0x27: {  	s1 =	sld [smem:$0x3FAF]  }
0x28: {  	s2 =	sld [smem:$0x3FB0]  }
0x29: {  	s4 =	sld [smem:$0x3FB2]  }
0x2a: {  	p0 =	seq.s32 s5, $0x0;
	s5 =	sld [smem:$0x3FB3]  }
0x2b: {  	s6 =	sld [smem:$0x3FB4]  }
0x2c: {  	s7 =	sld [smem:$0x3FB5]  }
0x2d: {  	s3 =	simm.s32 $0x108;
	s8 =	sld [smem:$0x3FB6]  }
0x2e: {  	s3 =	simm.s32 @!p0 $0x1082;
	s9 =	sld [smem:$0x3FB7]  }
0x2f: {  	lr =	sadd.s32 s0, s3;
	s0 =	sld [smem:$0x3FAE]  }
0x30: {  	s3 =	sld [smem:$0x3FB1]  }
0x31: {  	[smem:$0x3FBA] =	sst s10  }
0x32: {  	s10 =	sld [smem:$0x3FB8];
	_ =	sdelay $0x3  }
0x33: {  	p0 =	seq.s32 s10, $0x1;
	s10 =	sld [smem:$0x3FBA];
	_ =	sdelay $0x3  }
0x34: {  	[smem:$0x3FBA] =	sst s10  }
0x35: {  	s10 =	sld [smem:$0x3FB9];
	_ =	sdelay $0x3  }
0x36: {  	p1 =	seq.s32 s10, $0x1;
	s10 =	sld [smem:$0x3FBA];
	_ =	sdelay $0x3  }
0x37: {  	[smem:$0x3FBA] =	sst s10  }
0x38: {  	s10 =	sld [smem:$0x3FBB]  }
0x39: {  	_ = 	snop;
	(pc) =	sbr.ind lr, $3  }
0x3a: {  	_ = 	snop  }
0x3b: {  	_ = 	snop  }
0x3c: {  	p2 =	seq.s32 s10, $0x1;
	s10 =	sld [smem:$0x3FBA]  }
0x3d: {  	_ =	shalt  }
0x3e: {  	_ =	shalt  }
0x3f: {  	_ =	shalt  }
0x40: {  	_ =	shalt  }
0x41: {  	_ =	shalt  }
0x42: {  	_ =	shalt  }
0x43: {  	_ =	shalt  }
0x44: {  	_ =	shalt  }
0x45: {  	_ =	shalt  }
0x46: {  	_ =	shalt  }
0x47: {  	_ =	shalt  }
0x48: {  	_ =	shalt  }
0x49: {  	_ =	shalt  }
0x4a: {  	_ =	shalt  }
0x4b: {  	_ =	shalt  }
0x4c: {  	_ =	shalt  }
0x4d: {  	_ =	shalt  }
0x4e: {  	_ =	shalt  }
0x4f: {  	_ =	shalt  }
0x50: {  	_ =	shalt  }
0x51: {  	_ =	shalt  }
0x52: {  	_ =	shalt  }
0x53: {  	_ =	shalt  }
0x54: {  	_ =	shalt  }
0x55: {  	_ =	shalt  }
0x56: {  	_ =	shalt  }
0x57: {  	_ =	shalt  }
0x58: {  	_ =	shalt  }
0x59: {  	_ =	shalt  }
0x5a: {  	_ =	shalt  }
0x5b: {  	_ =	shalt  }
0x5c: {  	_ =	shalt  }
0x5d: {  	_ =	shalt  }
0x5e: {  	_ =	shalt  }
0x5f: {  	_ =	shalt  }
0x60: {  	_ =	shalt  }
0x61: {  	_ =	shalt  }
0x62: {  	_ =	shalt  }
0x63: {  	_ =	shalt  }
0x64: {  	_ =	shalt  }
0x65: {  	_ =	shalt  }
0x66: {  	_ =	shalt  }
0x67: {  	_ =	shalt  }
0x68: {  	_ =	shalt  }
0x69: {  	_ =	shalt  }
0x6a: {  	_ =	shalt  }
0x6b: {  	_ =	shalt  }
0x6c: {  	_ =	shalt  }
0x6d: {  	_ =	shalt  }
0x6e: {  	_ =	shalt  }
0x6f: {  	_ =	shalt  }
0x70: {  	_ =	shalt  }
0x71: {  	_ =	shalt  }
0x72: {  	_ =	shalt  }
0x73: {  	_ =	shalt  }
0x74: {  	_ =	shalt  }
0x75: {  	_ =	shalt  }
0x76: {  	_ =	shalt  }
0x77: {  	_ =	shalt  }
0x78: {  	_ =	shalt  }
0x79: {  	_ =	shalt  }
0x7a: {  	_ =	shalt  }
0x7b: {  	_ =	shalt  }
0x7c: {  	_ =	shalt  }
0x7d: {  	_ =	shalt  }
0x7e: {  	_ =	shalt  }
0x7f: {  	_ =	shalt  }
0x80: {  	_ =	shalt  }
0x81: {  	_ =	shalt  }
0x82: {  	_ =	shalt  }
0x83: {  	_ =	shalt  }
0x84: {  	_ =	shalt  }
0x85: {  	_ =	shalt  }
0x86: {  	_ =	shalt  }
0x87: {  	_ =	shalt  }
.Lfunc_end0:
.L_simem_size_0:
called_computation_lowered:
.L_overlay_start_0:
0x88: {  	s2 =	sld [smem:$0x3FD9]  }
0x89: {  	s3 =	sld [smem:$0x3FFE];
	_ =	sdelay $0x1  }
0x8a: {  	s1 =	srdreg.scid  }
0x8b: {  	s0 =	sand.u32 $0x1, s1  }
0x8c: {  	s16 =	sshll.u32 s0, $0xA;
	s2 =	sadd.s32 s3, s2  }
0x8d: {  	s2 =	sadd.s32 s2, s16  }
0x8e: {  	[smem:$0x3FC6] =	sst s2  }
0x8f: {  	_ = 	snop  }
0x90: {  	(tm) =	ssettm $0x1  }
0x91: {  	s17 =	sld [smem:$0x3FFB];
	_ =	sdelay $0x3  }
0x92: {  	_ =	strace s17  }
0x93: {  	s2 =	sld [smem:$0x3FFC];
	_ =	sdelay $0x3  }
0x94: {  	_ =	strace s2  }
0x95: {  	s2 =	sld [smem:$0x3FFD];
	_ =	sdelay $0x3  }
0x96: {  	_ =	strace s2  }
0x97: {  	_ =	strace $0x8FFFFFFF  }
0x98: {  	s18 =	sld [smem:$0x3FDB];
	_ =	sdelay $0x1  }
0x99: {  	s19 =	simm.s32 $_scs_section_size  }
0x9a: {  	s4 =	simm.s32 $_size__tile_overlayer_lowered;
	s5 =	simm.s32 $_tile_overlayer_lowered  }
0x9b: {  	s22 =	simm.s32 $0x1BFF;
	s21 =	sshll.u32 s5, $0x1;
	s2 =	sadd.s32 s19, s18  }
0x9c: {  	s6 =	simm.s32 $0x0;
	s20 =	sshll.u32 s4, $0x1;
	s4 =	sadd.s32 s21, s2  }
0x9d: {  	[timem:s6], [sflag:s22] =	dma.local [hbm:s4], s20  }
0x9e: {  	_ =	swait.ge [sflag:s22], s20  }
0x9f: {  	s3 =	ssub.s32 $0x0, s20;
	[sflag:s22] =	ssyncset.done $0x0  }
0xa0: {  	[sflag:s22] =	ssyncadd.s32 s3;
	_ =	sdelay $0x1  }
0xa1: {  	s23 =	simm.s32 $0x1B8B  }
0xa2: {  	_ =	swait.ge [sflag:s23], $0x1  }
0xa3: {  	[sflag:s23] =	ssyncset.done $0x0  }
0xa4: {  	s25 =	simm.s32 $0x1B8E;
	s24 =	sld [smem:$0x3FFE];
	[sflag:s23] =	ssyncadd.s32 $0xFFFFFFFF  }
0xa5: {  	s26 =	simm.s32 $execute0_lowered;
	[smem:$0x3FD2] =	sst s25  }
0xa6: {  	s4 =	sshll.u32 s26, $0x1;
	_ =	strace $0x80000046;
	[dreg:$0x1] =	wrdreg $0xFFFFFFFF  }
0xa7: {  	s28 =	simm.s32 $_size_execute0_lowered;
	s2 =	sadd.s32 s2, s4;
	[dreg:$0x0] =	wrdreg $0x0  }
0xa8: {  	s4 =	sshll.u32 s28, $0x1;
	[dreg:$0x2] =	wrdreg s2  }
0xa9: {  	[dreg:$0x3] =	wrdreg s4  }
0xaa: {  	[dreg:$0x4] =	wrdreg $0xC0  }
0xab: {  	_ =	task [dreg:s6], $0x5FFFF  }
0xac: {  	[dreg:$0x1] =	wrdreg $0xFFFFFFFF  }
0xad: {  	[dreg:$0x0] =	wrdreg $0x60  }
0xae: {  	[dreg:$0x2] =	wrdreg s24  }
0xaf: {  	[dreg:$0x3] =	wrdreg $0x9  }
0xb0: {  	_ =	task.clear_ibuf [dreg:s6], $0x4FFFF;
	_ =	strace $0x90000046  }
0xb1: {  	s29 =	simm.s32 $0x9;
	_ =	strace $0x80000048  }
0xb2: {  	_ =	swait.ge [sflag:s29], $0x1  }
0xb3: {  	[sflag:s29] =	ssyncadd.s32 $0xFFFFFFFF  }
0xb4: {  	_ =	strace $0x90000048  }
0xb5: {  	_ =	sfence  }
0xb6: {  	s30 =	sld [smem:$0x0];
	_ =	sdelay $0x2  }
0xb7: {  	s31 =	sshll.u32 s1, $0xD;
	s1 =	sshrl.u32 s1, $0x2  }
0xb8: {  	s3 =	sand.u32 $0x4000, s31;
	s1 =	sadd.s32 s1, s30  }
0xb9: {  	s0 =	sor.u32 s3, s0;
	s1 =	sshll.u32 s1, $0x11  }
0xba: {  	s0 =	sor.u32 s1, s0  }
0xbb: {  	s0 =	sadd.s32 $0x8F2B, s0  }
0xbc: {  	[sflag:s0] =	ssyncadd.remote.s32 $0x1  }
0xbd: {  	_ =	sfence.sel $0xFFFF  }
0xbe: {  	[dreg:$0x0] =	wrdreg $0xFFFFFFFF;
	(pc) =	sbr.abs _section_cstart, $3  }
0xbf: {  	[dreg:$0x1] =	wrdreg $0xFFFFFFFF  }
0xc0: {  	_ =	task.clear_ibuf [dreg:s6], $0x2FFFF;
	_ =	strace $0x9FFFFFFF  }
0xc1: {  	(tm) =	ssettm $0x7FFFFFFF  }
tec
execute0_lowered:
.L_overlay_start_1:
0x0: {  	(tag) =	ssettag $0x1  }
0x1: {  	s3 =	rddreg [dreg:$0x0]  }
0x2: {  	s0 =	rddreg [dreg:$0x1];
	s4 =	srdreg.scid  }
0x3: {  	s1 =	stileid.u32;
	s2 =	simm.s32 $0x0;
	s9 =	simm.s32 $0x800  }
0x4: {  	s10 =	simm.s32 $0x1000;
	s11 =	simm.s32 $0x1800;
	s12 =	simm.s32 $0x0  }
0x5: {  	s4 =	sand.u32 $0x1, s4;
	s5 =	sshll.u32 s1, $0x1;
	[smem:$0x7FF] =	sst s2  }
0x6: {  	s5 =	sor.u32 s4, s5;
	_ =	strace $0x80000047;
	s4 =	ssub.s32 $0x2, s4  }
0x7: {  	s6 =	sshll.u32 s5, $0x8;
	s5 =	sshll.u32 s5, $0x4;
	s7 =	sshrl.u32 s4, $0x1  }
0x8: {  	s6 =	sadd.s32 s6, s3;
	s8 =	sadd.s32 s5, s3;
	s7 =	ssub.s32 s4, s7  }
0x9: {  	s3 =	sadd.s32 $0x1000, s6;
	s4 =	sadd.s32 $0x3000, s6;
	s5 =	sadd.s32 $0x5000, s6  }
0xa: {  	v0 =	vimm.f32 $0.0e+00;
	v1 =	vimm.f32 $1.000000000e+00;
	s6 =	sadd.s32 $0x7000, s8;
	s7 =	smax.u32 s7, $0x1;
	s8 =	simm.s32 $0x1  }
.LBB2_1:
0xb: {  	[tilespmem:s2], [sflag:$0x1] =	stream.linear.gather [hbm4b:s3+s2], $0x800, $0x38;
	[tilespmem:$0x1880] =	vst v63  }
0xc: {  	_ =	swait.ge [sflag:s8], $0x800  }
0xd: {  	[sflag:s8] =	ssyncset.done $0x0  }
0xe: {  	[sflag:s8] =	ssyncadd.s32 $0xFFFFF800  }
0xf: {  	[tilespmem:s9], [sflag:$0x1] =	stream.linear.gather [hbm4b:s4+s2], $0x800, $0x38;
	[tilespmem:$0x1880] =	vst v63  }
0x10: {  	_ =	swait.ge [sflag:s8], $0x800  }
0x11: {  	[sflag:s8] =	ssyncset.done $0x0  }
0x12: {  	[sflag:s8] =	ssyncadd.s32 $0xFFFFF800  }
0x13: {  	[tilespmem:s10], [sflag:$0x1] =	stream.linear.gather [hbm4b:s5+s2], $0x800, $0x38;
	[tilespmem:$0x1880] =	vst v63  }
0x14: {  	_ =	swait.ge [sflag:s8], $0x800  }
0x15: {  	[sflag:s8] =	ssyncset.done $0x0  }
0x16: {  	[sflag:s8] =	ssyncadd.s32 $0xFFFFF800  }
0x17: {  	[tilespmem:$0x1800] =	vst v0  }
0x18: {  	[tilespmem:$0x1810] =	vst v0  }
0x19: {  	s13 =	simm.s32 $0x0;
	s14 =	simm.s32 $0x40;
	[tilespmem:$0x1820] =	vst v0  }
.LBB2_2:
0x1a: {  	p0 =	sne.s32 s14, $0x1FC0;
	v2 =	vld [tilespmem:s13+$0x1000];
	_ =	sdelay $0x7  }
0x1b: {  	[tilespmem:v2+s11+$0x0] =	vst.idx.add.f32.msk $0xffff, v1  }
0x1c: {  	v3 =	vadd.s32 $0x10, v2;
	v4 =	vld [tilespmem:s13+$0x0];
	_ =	sdelay $0x4  }
0x1d: {  	[tilespmem:v3+s11+$0x0] =	vst.idx.add.f32.msk $0xffff, v4  }
0x1e: {  	v2 =	vadd.s32 $0x20, v2;
	v3 =	vld [tilespmem:s13+$0x800]  }
.Ltmp0:
0x1f: {  	(pc) =	sbr.rel @p0 .LBB2_2-.Ltmp0, $2  }
0x20: {  	_ =	sdelay $0x2  }
0x21: {  	s13 =	sshra.s32 s14, $0x2;
	s14 =	sadd.s32 $0x40, s14;
	[tilespmem:v2+s11+$0x0] =	vst.idx.add.f32.msk $0xffff, v3  }
0x22: {  	v2 =	vld [tilespmem:s13+$0x1000];
	_ =	sdelay $0x7  }
0x23: {  	[tilespmem:v2+s11+$0x0] =	vst.idx.add.f32.msk $0xffff, v1  }
0x24: {  	v3 =	vadd.s32 $0x10, v2;
	v4 =	vld [tilespmem:s13+$0x0];
	_ =	sdelay $0x4  }
0x25: {  	[tilespmem:v3+s11+$0x0] =	vst.idx.add.f32.msk $0xffff, v4  }
0x26: {  	v2 =	vadd.s32 $0x20, v2;
	v3 =	vld [tilespmem:s13+$0x800];
	_ =	sdelay $0x2  }
0x27: {  	s12 =	sadd.s32 $0x1, s12  }
0x28: {  	p0 =	sne.s32 s12, s7  }
.Ltmp1:
0x29: {  	[tilespmem:v2+s11+$0x0] =	vst.idx.add.f32.msk $0xffff, v3;
	(pc) =	sbr.rel @p0 .LBB2_1-.Ltmp1, $4  }
0x2a: {  	[hbm4b:s6+s2] =	stream.linear.scatter [tilespmem:s11], [sflag:$0x1], $0x80, $0x38;
	[tilespmem:$0x1880] =	vst v63  }
0x2b: {  	_ =	swait.ge [sflag:s8], $0x80  }
0x2c: {  	[sflag:s8] =	ssyncset.done $0x0  }
0x2d: {  	[sflag:s8] =	ssyncadd.s32 $0xFFFFFF80  }
0x2e: {  	_ =	sfence.sel $0x180000  }
0x2f: {  	[bflag:$0x0] =	sbarrier.arrive $0xFFFF  }
0x30: {  	p0 =	sne.s32 s1, $0x0;
	_ =	strace $0x90000047  }
0x31: {  	s0 =	sadd.s32 @!p0 $0x100000, s0;
	[bflag:$0x2] =	sbarrier.arrive $0xFFFF  }
0x32: {  	[sflag:s0] =	ssyncadd.tile.s32 @!p0 $0x1;
	_ =	shalt  }
.Lfunc_end2:
_tile_overlayer_lowered:
.L_overlay_start_2:
0x33: {  	(tag) =	ssettag $0x2  }
0x34: {  	s0 =	rddreg [dreg:$0x0];
	s2 =	stileid.u32  }
0x35: {  	s1 =	rddreg [dreg:$0x1];
	p0 =	sne.s32 s2, $0x0  }
0x36: {  	s3 =	rddreg [dreg:$0x2];
	[bflag:$0x3] =	sbarrier.arrive $0xFFFF;
	s2 =	simm.s32 @!p0 $0x1C01  }
0x37: {  	[timem:s3], [sflag:s2] =	dma.local @!p0 [hbm:s0], s1  }
0x38: {  	s0 =	simm.s32 @!p0 $0x1  }
0x39: {  	_ =	swait.ge @!p0 [sflag:s0], s1  }
0x3a: {  	s1 =	ssub.s32 @!p0 $0x0, s1;
	[sflag:s0] =	ssyncset.done @!p0 $0x0  }
0x3b: {  	[sflag:s0] =	ssyncadd.s32 @!p0 s1  }
0x3c: {  	[bflag:$0x3] =	sbarrier.arrive $0xFFFF  }
0x3d: {  	_ =	shalt  }

</sc_bundles>
